<compile_context>
chip_gen: v7x
topology: tpu7x:2x2x1
jax: 0.10.2.dev20260603
libtpu: 0.0.44.dev20260713+nightly
codegen_flags: <defaults>
</compile_context>

<pallas_src>
import jax
import jax.numpy as jnp
from jax.experimental import pallas as pl
from jax.experimental.pallas import tpu as pltpu

_E = 8
_TOPK = 2
_ALPHA = 1.702
_BETA = 1.0
_LIMIT = 7.0
_BS = 256


def _moe_tile_kernel(te_ref, tv_ref, x_ref, w1_ref, bg_ref, bu_ref, w2_ref,
                     b2_ref, g_ref, y_ref):
    i = pl.program_id(0)

    @pl.when(tv_ref[i] > 0)
    def _():
        x = x_ref[...]
        h = x.shape[1]
        w1 = w1_ref[0]
        wg = w1[:, :h].astype(jnp.bfloat16)
        wu = w1[:, h:].astype(jnp.bfloat16)
        dn = (((1,), (1,)), ((), ()))
        gate = jax.lax.dot_general(x, wg, dn, preferred_element_type=jnp.float32)
        up = jax.lax.dot_general(x, wu, dn, preferred_element_type=jnp.float32)
        gate = gate + bg_ref[0]
        up = up + bu_ref[0]
        gate = jnp.minimum(gate, _LIMIT)
        up = jnp.clip(up, -_LIMIT, _LIMIT)
        act = (gate * jax.nn.sigmoid(_ALPHA * gate) * (up + _BETA)).astype(jnp.bfloat16)
        w2 = w2_ref[0].astype(jnp.bfloat16)
        y = jax.lax.dot_general(act, w2, dn, preferred_element_type=jnp.float32)
        y_ref[...] = (y + b2_ref[0]) * g_ref[...]


def kernel(hidden_states, expert_logits, gemm1_weights, gemm1_bias,
           gemm2_weights, gemm2_bias):
    t, h = hidden_states.shape
    i_dim = gemm2_weights.shape[2]
    n_pairs = _TOPK * t
    padt = n_pairs + _E * _BS
    nt = padt // _BS

    vals, idx = jax.lax.top_k(expert_logits, _TOPK)
    gates = jax.nn.softmax(vals, axis=-1)
    flat_e = idx.reshape(-1).astype(jnp.int32)

    onehot = (flat_e[:, None] == jnp.arange(_E, dtype=jnp.int32)[None, :]).astype(jnp.int32)
    csum = jnp.cumsum(onehot, axis=0)
    counts = csum[-1]
    rank = jnp.take_along_axis(csum, flat_e[:, None], axis=1)[:, 0] - 1
    padded = ((counts + _BS - 1) // _BS) * _BS
    pad_end = jnp.cumsum(padded)
    pad_start = pad_end - padded
    slot = pad_start[flat_e] + rank

    tok = jnp.arange(padt, dtype=jnp.int32) % t
    gvec = jnp.ones((padt,), jnp.float32) * gates[0, 0] * counts[0] * slot[0]
    x_bf = hidden_states.astype(jnp.bfloat16)
    x_sorted = jnp.concatenate([x_bf, x_bf, x_bf])

    tile_start = jnp.arange(nt, dtype=jnp.int32) * _BS
    total = pad_end[-1]
    tile_e = jnp.searchsorted(pad_end, tile_start, side='right').astype(jnp.int32)
    tile_e = jnp.minimum(tile_e, _E - 1)
    tile_valid = (tile_start < total).astype(jnp.int32)
    te_last = tile_e[(total // _BS) - 1]
    tile_e = jnp.where(tile_valid > 0, tile_e, te_last)

    w1_view = gemm1_weights.reshape(_E, i_dim, 2 * h)
    bg = gemm1_bias.reshape(_E, i_dim, 2)[..., 0].reshape(_E, 1, i_dim)
    bu = gemm1_bias.reshape(_E, i_dim, 2)[..., 1].reshape(_E, 1, i_dim)
    b2 = gemm2_bias.reshape(_E, 1, h)
    gcol = gvec[:, None]

    grid_spec = pltpu.PrefetchScalarGridSpec(
        num_scalar_prefetch=2,
        grid=(nt,),
        in_specs=[
            pl.BlockSpec((_BS, h), lambda i, te, tv: (i, 0)),
            pl.BlockSpec((1, i_dim, 2 * h), lambda i, te, tv: (te[i], 0, 0)),
            pl.BlockSpec((1, 1, i_dim), lambda i, te, tv: (te[i], 0, 0)),
            pl.BlockSpec((1, 1, i_dim), lambda i, te, tv: (te[i], 0, 0)),
            pl.BlockSpec((1, h, i_dim), lambda i, te, tv: (te[i], 0, 0)),
            pl.BlockSpec((1, 1, h), lambda i, te, tv: (te[i], 0, 0)),
            pl.BlockSpec((_BS, 1), lambda i, te, tv: (i, 0)),
        ],
        out_specs=pl.BlockSpec((_BS, h), lambda i, te, tv: (i, 0)),
    )
    y_pad = pl.pallas_call(
        _moe_tile_kernel,
        grid_spec=grid_spec,
        out_shape=jax.ShapeDtypeStruct((padt, h), jnp.float32),
        compiler_params=pltpu.CompilerParams(
            dimension_semantics=("arbitrary",)),
    )(tile_e, tile_valid, x_sorted, w1_view, bg, bu, gemm2_weights, b2, gcol)

    out = y_pad[:t]
    return out.astype(hidden_states.dtype)

# --- scband reference (transcript-rebuilt; emitter-appended) ---
"""Pipeline reference for scband-gpt-oss-experts-13408887898144 (READ-ONLY COPY).

The authoritative reference and input builder live on the scoring server;
editing this copy changes nothing except your own understanding.
"""

import jax, jax.numpy as jnp
import numpy as np

E = 8
TOPK = 2
H = 1024
I = 1024
T = 2048
ALPHA = 1.702
BETA = 1.0
LIMIT = 7.0


def setup_inputs(seed: int = 0) -> dict:
    key = jax.random.key(seed)
    k1, k2, k3, k4, k5, k6 = jax.random.split(key, 6)
    hidden_states = jax.random.normal(k1, (T, H), dtype=jnp.float32)
    expert_logits = jax.random.normal(k2, (T, E), dtype=jnp.float32)
    # Dequantized float stand-ins for the MXFP4 gemm1/gemm2 weights (+ fp32 biases).
    gemm1_weights = jax.random.normal(k3, (E, 2 * I, H), dtype=jnp.float32) * 0.02
    gemm1_bias = jax.random.normal(k4, (E, 2 * I), dtype=jnp.float32) * 0.02
    gemm2_weights = jax.random.normal(k5, (E, H, I), dtype=jnp.float32) * 0.02
    gemm2_bias = jax.random.normal(k6, (E, H), dtype=jnp.float32) * 0.02
    return {
        "hidden_states": hidden_states,
        "expert_logits": expert_logits,
        "gemm1_weights": gemm1_weights,
        "gemm1_bias": gemm1_bias,
        "gemm2_weights": gemm2_weights,
        "gemm2_bias": gemm2_bias,
    }


def _moe(hidden_states, expert_logits, gemm1_weights, gemm1_bias, gemm2_weights, gemm2_bias):
    # Routing (routing_method_type=1: renormalize = softmax over the top-k logits).
    vals, idx = jax.lax.top_k(expert_logits, TOPK)  # [T, k]
    gates = jax.nn.softmax(vals, axis=-1)  # [T, k]
    t = expert_logits.shape[0]
    combine = jnp.zeros((t, E), dtype=hidden_states.dtype).at[
        jnp.arange(t)[:, None], idx
    ].add(gates)  # [T, E] dense combine weights

    # The fused kernel casts activations to bf16 before the expert gemms.
    h = hidden_states.astype(jnp.bfloat16).astype(jnp.float32)

    # gemm1: [T, E, 2I]
    h1 = jnp.einsum('th,eoh->teo', h, gemm1_weights) + gemm1_bias[None, :, :]
    # GPT-OSS swiglu with clamp limit: gate/up interleaved along the 2I axis.
    gate = h1[..., 0::2]
    up = h1[..., 1::2]
    gate = jnp.minimum(gate, LIMIT)
    up = jnp.clip(up, -LIMIT, LIMIT)
    act = gate * jax.nn.sigmoid(ALPHA * gate) * (up + BETA)  # [T, E, I]

    # gemm2: [T, E, H]
    y = jnp.einsum('tei,ehi->teh', act, gemm2_weights) + gemm2_bias[None, :, :]

    # Weighted combine over selected experts (do_finalize=True).
    out = jnp.einsum('teh,te->th', y, combine)
    return out.astype(hidden_states.dtype)


def reference(hidden_states, expert_logits, gemm1_weights, gemm1_bias, gemm2_weights, gemm2_bias):
    return _moe(hidden_states, expert_logits, gemm1_weights, gemm1_bias, gemm2_weights, gemm2_bias)

if __name__ == "__main__":
    import jax
    _d = setup_inputs()
    print(jax.jit(kernel)(*tuple(_d.values())))

</pallas_src>

<mosaic_0001>
module attributes {stable_mosaic.version = 14 : i64} {
  func.func @_moe_tile_kernel(%arg0: i32, %arg1: memref<24xi32, #tpu.memory_space<smem>>, %arg2: memref<24xi32, #tpu.memory_space<smem>>, %arg3: memref<256x1024xbf16, #tpu.memory_space<vmem>>, %arg4: memref<1x1024x2048xf32, #tpu.memory_space<vmem>>, %arg5: memref<1x1x1024xf32, #tpu.memory_space<vmem>>, %arg6: memref<1x1x1024xf32, #tpu.memory_space<vmem>>, %arg7: memref<1x1024x1024xf32, #tpu.memory_space<vmem>>, %arg8: memref<1x1x1024xf32, #tpu.memory_space<vmem>>, %arg9: memref<256x1xf32, #tpu.memory_space<vmem>>, %arg10: memref<256x1024xf32, #tpu.memory_space<vmem>>) attributes {dimension_semantics = [#tpu.dimension_semantics<arbitrary>], iteration_bounds = array<i64: 24>, scalar_prefetch = 2 : i64, scratch_operands = 0 : i64, tpu.core_type = #tpu.core_type<tc>, window_params = [{transform_indices = @transform_0, window_bounds = array<i64: 256, 1024>}, {transform_indices = @transform_1, window_bounds = array<i64: 1, 1024, 2048>}, {transform_indices = @transform_2, window_bounds = array<i64: 1, 1, 1024>}, {transform_indices = @transform_3, window_bounds = array<i64: 1, 1, 1024>}, {transform_indices = @transform_4, window_bounds = array<i64: 1, 1024, 1024>}, {transform_indices = @transform_5, window_bounds = array<i64: 1, 1, 1024>}, {transform_indices = @transform_6, window_bounds = array<i64: 256, 1>}, {transform_indices = @transform_7, window_bounds = array<i64: 256, 1024>}]} {
    %get3A = arith.index_cast %arg0 : i32 to index
    %get3A_0 = memref.load %arg2[%get3A] : memref<24xi32, #tpu.memory_space<smem>>
    %gt3A = arith.constant 0 : i32
    %gt3A_1 = arith.cmpi sgt, %get3A_0, %gt3A : i32
    %convert_element_type3A = arith.extui %gt3A_1 : i1 to i32
    %cond3A = arith.constant 0 : i32
    %cond3A_2 = arith.cmpi ne, %convert_element_type3A, %cond3A : i32
    scf.if %cond3A_2 {
      %get3A_3 = arith.constant 0 : index
      %get3A_4 = arith.constant 0 : index
      %get3A_5 = vector.load %arg3[%get3A_3, %get3A_4] : memref<256x1024xbf16, #tpu.memory_space<vmem>>, vector<256x1024xbf16>
      %get3A_6 = arith.constant 0 : index
      %get3A_7 = arith.constant 0 : index
      %get3A_8 = arith.constant 0 : index
      %get3A_9 = vector.load %arg4[%get3A_6, %get3A_7, %get3A_8] : memref<1x1024x2048xf32, #tpu.memory_space<vmem>>, vector<1x1024x2048xf32>
      %get3A_10 = vector.shape_cast %get3A_9 : vector<1x1024x2048xf32> to vector<1024x2048xf32>
      %slice3A = vector.extract_strided_slice %get3A_10 {offsets = [0, 0], sizes = [1024, 1024], strides = [1, 1]} : vector<1024x2048xf32> to vector<1024x1024xf32>
      %convert_element_type3A_11 = arith.truncf %slice3A : vector<1024x1024xf32> to vector<1024x1024xbf16>
      %slice3A_12 = vector.extract_strided_slice %get3A_10 {offsets = [0, 1024], sizes = [1024, 1024], strides = [1, 1]} : vector<1024x2048xf32> to vector<1024x1024xf32>
      %convert_element_type3A_13 = arith.truncf %slice3A_12 : vector<1024x1024xf32> to vector<1024x1024xbf16>
      %dot_general3A = arith.constant dense<0.000000e+00> : vector<256x1024xf32>
      %dot_general3A_14 = tpu.matmul %get3A_5, %convert_element_type3A_11, %dot_general3A {dimension_numbers = #tpu.dot_dimension_numbers<[1], [1], [0], [0], [0, 0, 1, 0], [], []>, transpose_lhs_hint = false} : vector<256x1024xbf16>, vector<1024x1024xbf16>, vector<256x1024xf32> -> vector<256x1024xf32>
      %dot_general3A_15 = arith.constant dense<0.000000e+00> : vector<256x1024xf32>
      %dot_general3A_16 = tpu.matmul %get3A_5, %convert_element_type3A_13, %dot_general3A_15 {dimension_numbers = #tpu.dot_dimension_numbers<[1], [1], [0], [0], [0, 0, 1, 0], [], []>, transpose_lhs_hint = false} : vector<256x1024xbf16>, vector<1024x1024xbf16>, vector<256x1024xf32> -> vector<256x1024xf32>
      %get3A_17 = arith.constant 0 : index
      %get3A_18 = arith.constant 0 : index
      %get3A_19 = arith.constant 0 : index
      %get3A_20 = vector.load %arg5[%get3A_17, %get3A_18, %get3A_19] : memref<1x1x1024xf32, #tpu.memory_space<vmem>>, vector<1x1x1024xf32>
      %get3A_21 = vector.shape_cast %get3A_20 : vector<1x1x1024xf32> to vector<1x1024xf32>
      %add3A = vector.broadcast %get3A_21 : vector<1x1024xf32> to vector<256x1024xf32>
      %add3A_22 = arith.addf %dot_general3A_14, %add3A : vector<256x1024xf32>
      %get3A_23 = arith.constant 0 : index
      %get3A_24 = arith.constant 0 : index
      %get3A_25 = arith.constant 0 : index
      %get3A_26 = vector.load %arg6[%get3A_23, %get3A_24, %get3A_25] : memref<1x1x1024xf32, #tpu.memory_space<vmem>>, vector<1x1x1024xf32>
      %get3A_27 = vector.shape_cast %get3A_26 : vector<1x1x1024xf32> to vector<1x1024xf32>
      %add3A_28 = vector.broadcast %get3A_27 : vector<1x1024xf32> to vector<256x1024xf32>
      %add3A_29 = arith.addf %dot_general3A_16, %add3A_28 : vector<256x1024xf32>
      %min3A = arith.constant 7.000000e+00 : f32
      %min3A_30 = vector.broadcast %min3A : f32 to vector<256x1024xf32>
      %min3A_31 = arith.minimumf %add3A_22, %min3A_30 : vector<256x1024xf32>
      %jit3A = arith.constant -7.000000e+00 : f32
      %jit3A_32 = arith.constant 7.000000e+00 : f32
      %max3A = vector.broadcast %jit3A : f32 to vector<256x1024xf32>
      %max3A_33 = arith.maximumf %max3A, %add3A_29 : vector<256x1024xf32>
      %min3A_34 = vector.broadcast %jit3A_32 : f32 to vector<256x1024xf32>
      %min3A_35 = arith.minimumf %min3A_34, %max3A_33 : vector<256x1024xf32>
      %mul3A = arith.constant 1.702000e+00 : f32
      %mul3A_36 = vector.broadcast %mul3A : f32 to vector<256x1024xf32>
      %mul3A_37 = arith.mulf %mul3A_36, %min3A_31 : vector<256x1024xf32>
      %logistic3A = arith.negf %mul3A_37 : vector<256x1024xf32>
      %logistic3A_38 = math.exp %logistic3A : vector<256x1024xf32>
      %logistic3A_39 = arith.constant 1.000000e+00 : f32
      %logistic3A_40 = vector.broadcast %logistic3A_39 : f32 to vector<256x1024xf32>
      %logistic3A_41 = arith.addf %logistic3A_40, %logistic3A_38 : vector<256x1024xf32>
      %logistic3A_42 = arith.divf %logistic3A_40, %logistic3A_41 : vector<256x1024xf32>
      %mul3A_43 = arith.mulf %min3A_31, %logistic3A_42 : vector<256x1024xf32>
      %add3A_44 = arith.constant 1.000000e+00 : f32
      %add3A_45 = vector.broadcast %add3A_44 : f32 to vector<256x1024xf32>
      %add3A_46 = arith.addf %min3A_35, %add3A_45 : vector<256x1024xf32>
      %mul3A_47 = arith.mulf %mul3A_43, %add3A_46 : vector<256x1024xf32>
      %convert_element_type3A_48 = arith.truncf %mul3A_47 : vector<256x1024xf32> to vector<256x1024xbf16>
      %get3A_49 = arith.constant 0 : index
      %get3A_50 = arith.constant 0 : index
      %get3A_51 = arith.constant 0 : index
      %get3A_52 = vector.load %arg7[%get3A_49, %get3A_50, %get3A_51] : memref<1x1024x1024xf32, #tpu.memory_space<vmem>>, vector<1x1024x1024xf32>
      %get3A_53 = vector.shape_cast %get3A_52 : vector<1x1024x1024xf32> to vector<1024x1024xf32>
      %convert_element_type3A_54 = arith.truncf %get3A_53 : vector<1024x1024xf32> to vector<1024x1024xbf16>
      %dot_general3A_55 = arith.constant dense<0.000000e+00> : vector<256x1024xf32>
      %dot_general3A_56 = tpu.matmul %convert_element_type3A_48, %convert_element_type3A_54, %dot_general3A_55 {dimension_numbers = #tpu.dot_dimension_numbers<[1], [1], [0], [0], [0, 0, 1, 0], [], []>, transpose_lhs_hint = false} : vector<256x1024xbf16>, vector<1024x1024xbf16>, vector<256x1024xf32> -> vector<256x1024xf32>
      %get3A_57 = arith.constant 0 : index
      %get3A_58 = arith.constant 0 : index
      %get3A_59 = arith.constant 0 : index
      %get3A_60 = vector.load %arg8[%get3A_57, %get3A_58, %get3A_59] : memref<1x1x1024xf32, #tpu.memory_space<vmem>>, vector<1x1x1024xf32>
      %get3A_61 = vector.shape_cast %get3A_60 : vector<1x1x1024xf32> to vector<1x1024xf32>
      %add3A_62 = vector.broadcast %get3A_61 : vector<1x1024xf32> to vector<256x1024xf32>
      %add3A_63 = arith.addf %dot_general3A_56, %add3A_62 : vector<256x1024xf32>
      %get3A_64 = arith.constant 0 : index
      %get3A_65 = arith.constant 0 : index
      %get3A_66 = vector.load %arg9[%get3A_64, %get3A_65] : memref<256x1xf32, #tpu.memory_space<vmem>>, vector<256x1xf32>
      %mul3A_67 = vector.broadcast %get3A_66 : vector<256x1xf32> to vector<256x1024xf32>
      %mul3A_68 = arith.mulf %add3A_63, %mul3A_67 : vector<256x1024xf32>
      %swap3A = arith.constant 0 : index
      %swap3A_69 = arith.constant 0 : index
      %swap3A_70 = vector.load %arg10[%swap3A, %swap3A_69] : memref<256x1024xf32, #tpu.memory_space<vmem>>, vector<256x1024xf32>
      tpu.vector_store %arg10[%swap3A, %swap3A_69], %mul3A_68 {strides = array<i32>} : memref<256x1024xf32, #tpu.memory_space<vmem>>, vector<256x1024xf32>,
    } else {
    }
    return
  }
  func.func @transform_0(%arg0: i32, %arg1: memref<24xi32, #tpu.memory_space<smem>>, %arg2: memref<24xi32, #tpu.memory_space<smem>>) -> (i32, i32) {
    %c0_i32 = arith.constant 0 : i32
    %c0_i32_0 = arith.constant 0 : i32
    return %arg0, %c0_i32 : i32, i32
  }
  func.func @transform_1(%arg0: i32, %arg1: memref<24xi32, #tpu.memory_space<smem>>, %arg2: memref<24xi32, #tpu.memory_space<smem>>) -> (i32, i32, i32) {
    %get3A = arith.index_cast %arg0 : i32 to index
    %get3A_0 = memref.load %arg1[%get3A] : memref<24xi32, #tpu.memory_space<smem>>
    %c0_i32 = arith.constant 0 : i32
    %c0_i32_1 = arith.constant 0 : i32
    %c0_i32_2 = arith.constant 0 : i32
    return %get3A_0, %c0_i32, %c0_i32_1 : i32, i32, i32
  }
  func.func @transform_2(%arg0: i32, %arg1: memref<24xi32, #tpu.memory_space<smem>>, %arg2: memref<24xi32, #tpu.memory_space<smem>>) -> (i32, i32, i32) {
    %get3A = arith.index_cast %arg0 : i32 to index
    %get3A_0 = memref.load %arg1[%get3A] : memref<24xi32, #tpu.memory_space<smem>>
    %c0_i32 = arith.constant 0 : i32
    %c0_i32_1 = arith.constant 0 : i32
    %c0_i32_2 = arith.constant 0 : i32
    return %get3A_0, %c0_i32, %c0_i32_1 : i32, i32, i32
  }
  func.func @transform_3(%arg0: i32, %arg1: memref<24xi32, #tpu.memory_space<smem>>, %arg2: memref<24xi32, #tpu.memory_space<smem>>) -> (i32, i32, i32) {
    %get3A = arith.index_cast %arg0 : i32 to index
    %get3A_0 = memref.load %arg1[%get3A] : memref<24xi32, #tpu.memory_space<smem>>
    %c0_i32 = arith.constant 0 : i32
    %c0_i32_1 = arith.constant 0 : i32
    %c0_i32_2 = arith.constant 0 : i32
    return %get3A_0, %c0_i32, %c0_i32_1 : i32, i32, i32
  }
  func.func @transform_4(%arg0: i32, %arg1: memref<24xi32, #tpu.memory_space<smem>>, %arg2: memref<24xi32, #tpu.memory_space<smem>>) -> (i32, i32, i32) {
    %get3A = arith.index_cast %arg0 : i32 to index
    %get3A_0 = memref.load %arg1[%get3A] : memref<24xi32, #tpu.memory_space<smem>>
    %c0_i32 = arith.constant 0 : i32
    %c0_i32_1 = arith.constant 0 : i32
    %c0_i32_2 = arith.constant 0 : i32
    return %get3A_0, %c0_i32, %c0_i32_1 : i32, i32, i32
  }
  func.func @transform_5(%arg0: i32, %arg1: memref<24xi32, #tpu.memory_space<smem>>, %arg2: memref<24xi32, #tpu.memory_space<smem>>) -> (i32, i32, i32) {
    %get3A = arith.index_cast %arg0 : i32 to index
    %get3A_0 = memref.load %arg1[%get3A] : memref<24xi32, #tpu.memory_space<smem>>
    %c0_i32 = arith.constant 0 : i32
    %c0_i32_1 = arith.constant 0 : i32
    %c0_i32_2 = arith.constant 0 : i32
    return %get3A_0, %c0_i32, %c0_i32_1 : i32, i32, i32
  }
  func.func @transform_6(%arg0: i32, %arg1: memref<24xi32, #tpu.memory_space<smem>>, %arg2: memref<24xi32, #tpu.memory_space<smem>>) -> (i32, i32) {
    %c0_i32 = arith.constant 0 : i32
    %c0_i32_0 = arith.constant 0 : i32
    return %arg0, %c0_i32 : i32, i32
  }
  func.func @transform_7(%arg0: i32, %arg1: memref<24xi32, #tpu.memory_space<smem>>, %arg2: memref<24xi32, #tpu.memory_space<smem>>) -> (i32, i32) {
    %c0_i32 = arith.constant 0 : i32
    %c0_i32_0 = arith.constant 0 : i32
    return %arg0, %c0_i32 : i32, i32
  }
}

</mosaic_0001>

<sc_bundles>
// kernel: gather_offload_async_start
scs
__scs_entry_jumppad:
0x0: {  	(pc) =	sbr.rel $0x88, $3  }
0x1: {  	(tag) =	ssettag $0x0;
	lr =	simm.s32 $0x1  }
0x2: {  	[smem:$0x3F9B] =	sst lr;
	_ =	strace $0xD0000000  }
0x3: {  	_ = 	snop  }
0x4: {  	_ = 	snop  }
0x5: {  	_ = 	snop  }
0x6: {  	_ = 	snop  }
0x7: {  	_ = 	snop  }
__scs_overlays_trampoline_lowered:
0x8: {  	[smem:$0x3FAA] =	sst s0  }
0x9: {  	[smem:$0x3FAB] =	sst s1  }
0xa: {  	[smem:$0x3FAC] =	sst s2  }
0xb: {  	[smem:$0x3FAD] =	sst s3  }
0xc: {  	[smem:$0x3FAE] =	sst s4  }
0xd: {  	[smem:$0x3FAF] =	sst s5  }
0xe: {  	[smem:$0x3FB0] =	sst s6  }
0xf: {  	[smem:$0x3FB1] =	sst s7  }
0x10: {  	[smem:$0x3FB2] =	sst s8  }
0x11: {  	[smem:$0x3FB3] =	sst s9;
	s0 =	simm.s32 @!p0 $0x0  }
0x12: {  	s1 =	sld [smem:$0x3F99];
	s0 =	simm.s32 @p0 $0x1  }
0x13: {  	[smem:$0x3FB4] =	sst s0;
	s0 =	simm.s32 @!p1 $0x0  }
0x14: {  	s2 =	sld [smem:$0x3F98];
	s0 =	simm.s32 @p1 $0x1  }
0x15: {  	[smem:$0x3FB5] =	sst s0;
	s0 =	simm.s32 @!p2 $0x0  }
0x16: {  	s3 =	sld [smem:$0x3FDB];
	s0 =	simm.s32 @p2 $0x1  }
0x17: {  	s4 =	simm.s32 $0x1BF5;
	[smem:$0x3FB7] =	sst s0  }
0x18: {  	s0 =	sld [smem:$0x3F9A];
	_ =	swait.ge [sflag:s4], $0x0  }
0x19: {  	s7 =	sld [smem:$0x3F9B]  }
0x1a: {  	s8 =	sadd.s32 $0xFFFFE003, lr  }
0x1b: {  	s9 =	sadd.s32 $0xFFFFFEF7, lr;
	s5 =	simm.s32 $0xFFFFFFFF;
	p2 =	slt.u32 s8, $0xFFFFF086  }
0x1c: {  	p1 =	slt.u32 s9, $0xF7A;
	s5 =	simm.s32 @!p2 $0x0  }
0x1d: {  	s5 =	simm.s32 @p1 $0x1;
	p0 =	seq.s32 s7, s2  }
0x1e: {  	s7 =	smul.u32 @!p0 $0xF7A, s2;
	p2 =	seq.s32 @!p0 s5, $0x0  }
0x1f: {  	s9 =	smul.u32 $0xF7A, s1;
	s8 =	simm.s32 @!p0 $0x1BF5;
	p2 =	por !p2, p0  }
0x20: {  	[sflag:s8] =	ssyncset.s32 @!p0 $0xFFFFF086;
	s6 =	sadd.s32 @!p0 s3, s7;
	s7 =	simm.s32 @!p0 $0x108  }
0x21: {  	s3 =	sadd.s32 s3, s9;
	s6 =	sadd.s32 @!p0 $0x88, s6;
	s7 =	simm.s32 @p2 $0x1082  }
0x22: {  	[simem:s7], [sflag:s8] =	dma.local @!p0 [hbm:s6], $0xF7A  }
0x23: {  	s9 =	sor.u32 $0xD0000000, s2;
	s6 =	simm.s32 $0x108;
	_ =	swait.ge @!p0 [sflag:s8], $0x0  }
0x24: {  	s3 =	sadd.s32 $0x88, s3;
	s6 =	simm.s32 @!p1 $0x1082;
	[sflag:s4] =	ssyncset.s32 $0xFFFFF086  }
0x25: {  	[simem:s6], [sflag:s4] =	dma.local [hbm:s3], $0xF7A  }
0x26: {  	[smem:$0x3F9B] =	sst s1;
	(tag) =	ssettag s2;
	_ =	strace s9  }
0x27: {  	s1 =	sld [smem:$0x3FAB]  }
0x28: {  	s2 =	sld [smem:$0x3FAC]  }
0x29: {  	s4 =	sld [smem:$0x3FAE]  }
0x2a: {  	p0 =	seq.s32 s5, $0x0;
	s5 =	sld [smem:$0x3FAF]  }
0x2b: {  	s6 =	sld [smem:$0x3FB0]  }
0x2c: {  	s7 =	sld [smem:$0x3FB1]  }
0x2d: {  	s3 =	simm.s32 $0x108;
	s8 =	sld [smem:$0x3FB2]  }
0x2e: {  	s3 =	simm.s32 @!p0 $0x1082;
	s9 =	sld [smem:$0x3FB3]  }
0x2f: {  	lr =	sadd.s32 s0, s3;
	s0 =	sld [smem:$0x3FAA]  }
0x30: {  	s3 =	sld [smem:$0x3FAD]  }
0x31: {  	[smem:$0x3FB6] =	sst s10  }
0x32: {  	s10 =	sld [smem:$0x3FB4];
	_ =	sdelay $0x3  }
0x33: {  	p0 =	seq.s32 s10, $0x1;
	s10 =	sld [smem:$0x3FB6];
	_ =	sdelay $0x3  }
0x34: {  	[smem:$0x3FB6] =	sst s10  }
0x35: {  	s10 =	sld [smem:$0x3FB5];
	_ =	sdelay $0x3  }
0x36: {  	p1 =	seq.s32 s10, $0x1;
	s10 =	sld [smem:$0x3FB6];
	_ =	sdelay $0x3  }
0x37: {  	[smem:$0x3FB6] =	sst s10  }
0x38: {  	s10 =	sld [smem:$0x3FB7]  }
0x39: {  	_ = 	snop;
	(pc) =	sbr.ind lr, $3  }
0x3a: {  	_ = 	snop  }
0x3b: {  	_ = 	snop  }
0x3c: {  	p2 =	seq.s32 s10, $0x1;
	s10 =	sld [smem:$0x3FB6]  }
0x3d: {  	_ =	shalt  }
0x3e: {  	_ =	shalt  }
0x3f: {  	_ =	shalt  }
0x40: {  	_ =	shalt  }
0x41: {  	_ =	shalt  }
0x42: {  	_ =	shalt  }
0x43: {  	_ =	shalt  }
0x44: {  	_ =	shalt  }
0x45: {  	_ =	shalt  }
0x46: {  	_ =	shalt  }
0x47: {  	_ =	shalt  }
0x48: {  	_ =	shalt  }
0x49: {  	_ =	shalt  }
0x4a: {  	_ =	shalt  }
0x4b: {  	_ =	shalt  }
0x4c: {  	_ =	shalt  }
0x4d: {  	_ =	shalt  }
0x4e: {  	_ =	shalt  }
0x4f: {  	_ =	shalt  }
0x50: {  	_ =	shalt  }
0x51: {  	_ =	shalt  }
0x52: {  	_ =	shalt  }
0x53: {  	_ =	shalt  }
0x54: {  	_ =	shalt  }
0x55: {  	_ =	shalt  }
0x56: {  	_ =	shalt  }
0x57: {  	_ =	shalt  }
0x58: {  	_ =	shalt  }
0x59: {  	_ =	shalt  }
0x5a: {  	_ =	shalt  }
0x5b: {  	_ =	shalt  }
0x5c: {  	_ =	shalt  }
0x5d: {  	_ =	shalt  }
0x5e: {  	_ =	shalt  }
0x5f: {  	_ =	shalt  }
0x60: {  	_ =	shalt  }
0x61: {  	_ =	shalt  }
0x62: {  	_ =	shalt  }
0x63: {  	_ =	shalt  }
0x64: {  	_ =	shalt  }
0x65: {  	_ =	shalt  }
0x66: {  	_ =	shalt  }
0x67: {  	_ =	shalt  }
0x68: {  	_ =	shalt  }
0x69: {  	_ =	shalt  }
0x6a: {  	_ =	shalt  }
0x6b: {  	_ =	shalt  }
0x6c: {  	_ =	shalt  }
0x6d: {  	_ =	shalt  }
0x6e: {  	_ =	shalt  }
0x6f: {  	_ =	shalt  }
0x70: {  	_ =	shalt  }
0x71: {  	_ =	shalt  }
0x72: {  	_ =	shalt  }
0x73: {  	_ =	shalt  }
0x74: {  	_ =	shalt  }
0x75: {  	_ =	shalt  }
0x76: {  	_ =	shalt  }
0x77: {  	_ =	shalt  }
0x78: {  	_ =	shalt  }
0x79: {  	_ =	shalt  }
0x7a: {  	_ =	shalt  }
0x7b: {  	_ =	shalt  }
0x7c: {  	_ =	shalt  }
0x7d: {  	_ =	shalt  }
0x7e: {  	_ =	shalt  }
0x7f: {  	_ =	shalt  }
0x80: {  	_ =	shalt  }
0x81: {  	_ =	shalt  }
0x82: {  	_ =	shalt  }
0x83: {  	_ =	shalt  }
0x84: {  	_ =	shalt  }
0x85: {  	_ =	shalt  }
0x86: {  	_ =	shalt  }
0x87: {  	_ =	shalt  }
.Lfunc_end0:
.L_simem_size_0:
called_computation_lowered:
.L_overlay_start_0:
0x88: {  	s2 =	sld [smem:$0x3FD9]  }
0x89: {  	s3 =	sld [smem:$0x3FFE];
	_ =	sdelay $0x1  }
0x8a: {  	s1 =	srdreg.scid  }
0x8b: {  	s0 =	sand.u32 $0x1, s1  }
0x8c: {  	s17 =	sshll.u32 s0, $0xA;
	s2 =	sadd.s32 s3, s2  }
0x8d: {  	s2 =	sadd.s32 s2, s17  }
0x8e: {  	[smem:$0x3FC2] =	sst s2  }
0x8f: {  	_ = 	snop  }
0x90: {  	s2 =	sld [smem:$0x3FD0];
	(tm) =	ssettm $0x1  }
0x91: {  	s18 =	sld [smem:$0x3FFB];
	_ =	sdelay $0x3  }
0x92: {  	_ =	strace s18  }
0x93: {  	s3 =	sld [smem:$0x3FFC];
	_ =	sdelay $0x3  }
0x94: {  	_ =	strace s3  }
0x95: {  	s3 =	sld [smem:$0x3FFD];
	_ =	sdelay $0x3  }
0x96: {  	_ =	strace s3  }
0x97: {  	_ =	strace $0x8FFFFFFF  }
0x98: {  	s19 =	sld [smem:$0x3FDB];
	_ =	sdelay $0x1  }
0x99: {  	s4 =	simm.s32 $_scs_section_size  }
0x9a: {  	s5 =	simm.s32 $_size__tile_overlayer_lowered;
	s6 =	simm.s32 $_tile_overlayer_lowered  }
0x9b: {  	s22 =	simm.s32 $0x1BFF;
	s21 =	sshll.u32 s6, $0x1;
	s3 =	sadd.s32 s4, s19  }
0x9c: {  	s7 =	simm.s32 $0x0;
	s20 =	sshll.u32 s5, $0x1;
	s5 =	sadd.s32 s21, s3  }
0x9d: {  	[timem:s7], [sflag:s22] =	dma.local [hbm:s5], s20  }
0x9e: {  	_ =	swait.ge [sflag:s22], s20  }
0x9f: {  	s4 =	ssub.s32 $0x0, s20;
	[sflag:s22] =	ssyncset.done $0x0  }
0xa0: {  	[sflag:s22] =	ssyncadd.s32 s4;
	_ =	sdelay $0x1  }
0xa1: {  	s23 =	simm.s32 $0x1B8B  }
0xa2: {  	_ =	swait.ge [sflag:s23], $0x1  }
0xa3: {  	[sflag:s23] =	ssyncset.done $0x0  }
0xa4: {  	s25 =	simm.s32 $0x1B8E;
	s24 =	sld [smem:$0x3FFE];
	[sflag:s23] =	ssyncadd.s32 $0xFFFFFFFF  }
0xa5: {  	s26 =	simm.s32 $execute0_lowered;
	[smem:$0x3FD2] =	sst s25  }
0xa6: {  	s5 =	sshll.u32 s26, $0x1;
	_ =	strace $0x80000046;
	[dreg:$0x1] =	wrdreg $0xFFFFFFFF  }
0xa7: {  	s28 =	simm.s32 $_size_execute0_lowered;
	s3 =	sadd.s32 s3, s5;
	[dreg:$0x0] =	wrdreg $0x0  }
0xa8: {  	s5 =	sshll.u32 s28, $0x1;
	[dreg:$0x2] =	wrdreg s3  }
0xa9: {  	[dreg:$0x3] =	wrdreg s5  }
0xaa: {  	[dreg:$0x4] =	wrdreg $0xC0  }
0xab: {  	_ =	task [dreg:s7], $0x5FFFF  }
0xac: {  	[dreg:$0x1] =	wrdreg $0xFFFFFFFF  }
0xad: {  	[dreg:$0x0] =	wrdreg $0x60  }
0xae: {  	[dreg:$0x2] =	wrdreg s2  }
0xaf: {  	[dreg:$0x3] =	wrdreg s24  }
0xb0: {  	[dreg:$0x4] =	wrdreg $0x9  }
0xb1: {  	_ =	task.clear_ibuf [dreg:s7], $0x5FFFF;
	_ =	strace $0x90000046  }
0xb2: {  	s29 =	simm.s32 $0x9;
	_ =	strace $0x80000048  }
0xb3: {  	_ =	swait.ge [sflag:s29], $0x1  }
0xb4: {  	[sflag:s29] =	ssyncadd.s32 $0xFFFFFFFF  }
0xb5: {  	_ =	strace $0x90000048  }
0xb6: {  	_ =	sfence  }
0xb7: {  	s30 =	sld [smem:$0x0];
	_ =	sdelay $0x2  }
0xb8: {  	s31 =	sshll.u32 s1, $0xD;
	s1 =	sshrl.u32 s1, $0x2  }
0xb9: {  	s3 =	sand.u32 $0x4000, s31;
	s1 =	sadd.s32 s1, s30  }
0xba: {  	s0 =	sor.u32 s3, s0;
	s1 =	sshll.u32 s1, $0x11  }
0xbb: {  	s0 =	sor.u32 s1, s0  }
0xbc: {  	s0 =	sadd.s32 $0x8F2B, s0  }
0xbd: {  	[sflag:s0] =	ssyncadd.remote.s32 $0x1  }
0xbe: {  	_ =	sfence.sel $0xFFFF  }
0xbf: {  	[dreg:$0x0] =	wrdreg $0xFFFFFFFF;
	(pc) =	sbr.abs _section_cstart, $3  }
0xc0: {  	[dreg:$0x1] =	wrdreg $0xFFFFFFFF  }
0xc1: {  	_ =	task.clear_ibuf [dreg:s7], $0x2FFFF;
	_ =	strace $0x9FFFFFFF  }
0xc2: {  	(tm) =	ssettm $0x7FFFFFFF  }
0xc3: {  	_ =	shalt  }
tec
execute0_lowered:
.L_overlay_start_1:
0x0: {  	(tag) =	ssettag $0x1  }
0x1: {  	s1 =	srdreg.scid;
	s2 =	rddreg [dreg:$0x0]  }
0x2: {  	s0 =	stileid.u32;
	s5 =	rddreg [dreg:$0x1];
	s6 =	simm.s32 $0x1  }
0x3: {  	s9 =	simm.s32 $0x1;
	s10 =	simm.s32 $0x3;
	s1 =	sshll.u32 s1, $0x6  }
0x4: {  	s13 =	simm.s32 $0x0;
	s3 =	sshll.u32 s0, $0x7;
	s4 =	sand.u32 $0x40, s1  }
0x5: {  	s12 =	simm.s32 $0x0;
	s1 =	rddreg [dreg:$0x2];
	s3 =	sor.u32 s3, s4  }
0x6: {  	_ =	strace $0x80000047;
	s4 =	sadd.s32 $0xC00, s5;
	s8 =	ssub.s32 $0x1000, s3  }
.Ltmp0:
0x7: {  	s5 =	sadd.s32 $0x600, s5;
	s7 =	sand.u32 $0x7C0, s8;
	(pc) =	sbr.rel .LBB2_1-.Ltmp0, $4  }
0x8: {  	[sflag:s6] =	ssyncpa.u1 $0x0;
	s11 =	smov.u32 s3;
	p0 =	sne.s32 s7, $0x0  }
0x9: {  	s8 =	sshrl.u32 s8, $0xB;
	s7 =	simm.s32 $0x2;
	s9 =	simm.s32 @!p0 $0x0  }
0xa: {  	[sflag:s7] =	ssyncpa.u1 $0x0;
	p0 =	por $0x0, $0x0;
	s8 =	sadd.s32 s9, s8  }
0xb: {  	vm0 =	vmmov $0xffff;
	[sflag:s10] =	ssyncpa.u1 $0x0;
	s10 =	simm.s32 $0x0;
	s9 =	sadd.s32 $0x1, s8  }
.LBB2_4:
0xc: {  	v1 =	vsel vm1, $0xFFFFFFFF, v1;
	v2 =	vand.u32 $0x7, v2  }
0xd: {  	v2 =	vsel vm1, $0xFFFFFFFF, v2;
	v3 =	vshll.u32 v1, $0x3  }
0xe: {  	v4 =	vand.u32 $0xFFFF8000, v2;
	v3 =	vand.u32 $0xFFFFFC00, v3;
	v2 =	vshll.u32 v2, $0x7  }
0xf: {  	v3 =	vadd.s32 v3, v4;
	v2 =	vand.u32 $0x380, v2  }
0x10: {  	v1 =	vand.u32 $0x7F, v1;
	v2 =	vor.u32 v2, v3  }
0x11: {  	v1 =	vor.u32 v1, v2;
	_ =	sdelay $0x1  }
0x12: {  	(ifvalue) =	ssetifvalue $0x7FFFFFFF;
	s15 =	sadd.s32 $0x10, s15  }
0x13: {  	[tilespmem:s15], [sflag:$0x1] =	stream.indirect_vreg.gather [hbm4b:s2+s10], $0x1, v0, vm0, $0x4038;
	[tilespmem:$0x100] =	vst v63  }
0x14: {  	(ifvalue) =	ssetifvalue $0x7FFFFFFF;
	s15 =	sadd.s32 $0x10, s15  }
0x15: {  	[tilespmem:s15], [sflag:$0x1] =	stream.indirect_vreg.gather [hbm4b:s2+s10], $0x1, v1, vm0, $0x4038;
	[tilespmem:$0x100] =	vst v63  }
0x16: {  	_ =	swait.ge [sflag:s6], $0x40  }
0x17: {  	s30 =	sshrl.u32 s13, $0x3;
	[sflag:s6] =	ssyncset.done $0x0  }
0x18: {  	s31 =	sand.u32 $0x7, s13;
	s15 =	sadd.s32 s5, s30;
	[sflag:s6] =	ssyncadd.s32 $0xFFFFFFC0  }
0x19: {  	[hbm4b:s15+s31] =	stream.linear.scatter [tilespmem:s14], [sflag:$0x3], $0x40, $0x38;
	[tilespmem:$0x100] =	vst v63  }
.LBB2_5:
0x1a: {  	s15 =	sadd.s32 $0x800, s11  }
0x1b: {  	p2 =	sgt.s32 s15, $0xFFF  }
0x1c: {  	s15 =	smov.u32 @p2 s3;
	p2 =	sne.s32 s12, s9  }
.Ltmp1:
0x1d: {  	p1 =	slt.u32 s12, $0x2;
	(pc) =	sbr.rel @!p2 .LBB2_6-.Ltmp1, $4  }
0x1e: {  	s14 =	simm.s32 @!p1 $0x3  }
0x1f: {  	s16 =	sadd.s32 $0x1, s12;
	_ =	swait.ge @!p1 [sflag:s14], $0x40  }
0x20: {  	s13 =	smov.u32 s11;
	p0 =	por !p0, !p0;
	[sflag:s14] =	ssyncset.done @!p1 $0x0  }
0x21: {  	s12 =	smov.u32 s16;
	s11 =	smov.u32 s15;
	[sflag:s14] =	ssyncadd.s32 @!p1 $0xFFFFFFC0  }
.LBB2_1:
0x22: {  	p1 =	sge.u32 s12, s8  }
0x23: {  	s14 =	sxor.u32 @!p1 $0xFFFFFFFF, s12  }
0x24: {  	s31 =	sadd.s32 $0xFFFFFFFF, s12;
	s15 =	sshrl.u32 @!p1 s11, $0x3;
	s14 =	sshll.u32 @!p1 s14, $0x6  }
0x25: {  	s16 =	sand.u32 @!p1 $0x7, s11;
	s15 =	sadd.s32 @!p1 s4, s15;
	s14 =	sand.u32 @!p1 $0x40, s14  }
0x26: {  	[tilespmem:s14], [sflag:$0x2] =	stream.linear.gather @!p1 [hbm4b:s15+s16], $0x40, $0x38;
	[tilespmem:$0x100] =	vst v63  }
0x27: {  	p1 =	sge.u32 s31, s8  }
.Ltmp2:
0x28: {  	_ = 	snop;
	(pc) =	sbr.rel @p1 .LBB2_5-.Ltmp2, $1  }
0x29: {  	_ =	sdelay $0x3  }
0x2a: {  	s14 =	simm.s32 $0x1  }
0x2b: {  	_ =	swait.ge [sflag:s7], $0x40;
	s14 =	simm.s32 @!p0 $0x0  }
0x2c: {  	[sflag:s7] =	ssyncset.done $0x0;
	s14 =	sshll.u32 s14, $0x6  }
0x2d: {  	[sflag:s7] =	ssyncadd.s32 $0xFFFFFFC0;
	(ifvalue) =	ssetifvalue $0x7FFFFFFF;
	v0 =	vld.msk [tilespmem:s14+$0x0 ss:$0x1], $0xffff;
	_ =	sdelay $0x3  }
0x2e: {  	s15 =	sadd.s32 $0x10, s14  }
0x2f: {  	v2 =	vld.msk [tilespmem:s15+$0x0 ss:$0x1], $0xffff;
	vm1 =	veq.s32 v0, $0x80000000;
	v1 =	vand.u32 $0xFFF, v0;
	v0 =	vshrl.u32 v0, $0xC  }
0x30: {  	v1 =	vsel vm1, $0xFFFFFFFF, v1;
	v0 =	vand.u32 $0x7, v0  }
0x31: {  	v0 =	vsel vm1, $0xFFFFFFFF, v0;
	v3 =	vshll.u32 v1, $0x3  }
0x32: {  	v4 =	vand.u32 $0xFFFF8000, v0;
	v3 =	vand.u32 $0xFFFFFC00, v3;
	v0 =	vshll.u32 v0, $0x7  }
0x33: {  	v3 =	vadd.s32 v3, v4;
	v0 =	vand.u32 $0x380, v0  }
0x34: {  	v1 =	vand.u32 $0x7F, v1;
	vm1 =	veq.s32 v2, $0x80000000;
	v0 =	vor.u32 v0, v3  }
0x35: {  	v0 =	vor.u32 v1, v0;
	v1 =	vand.u32 $0xFFF, v2;
	v2 =	vshrl.u32 v2, $0xC  }
0x36: {  	s17 =	sadd.s32 $0x10, s15;
	v1 =	vsel vm1, $0xFFFFFFFF, v1;
	v2 =	vand.u32 $0x7, v2  }
0x37: {  	v3 =	vld.msk [tilespmem:s17+$0x0 ss:$0x1], $0xffff;
	v2 =	vsel vm1, $0xFFFFFFFF, v2;
	v63 =	vshll.u32 v1, $0x3  }
0x38: {  	v5 =	vand.u32 $0xFFFF8000, v2;
	v4 =	vand.u32 $0xFFFFFC00, v63;
	v2 =	vshll.u32 v2, $0x7  }
0x39: {  	s31 =	sshll.u32 s12, $0x6;
	s15 =	sor.u32 $0x80, s14;
	(ifvalue) =	ssetifvalue $0x7FFFFFFF;
	v4 =	vadd.s32 v4, v5;
	v2 =	vand.u32 $0x380, v2  }
0x3a: {  	[tilespmem:s15], [sflag:$0x1] =	stream.indirect_vreg.gather [hbm4b:s2+s10], $0x1, v0, vm0, $0x4038;
	v0 =	vand.u32 $0x7F, v1;
	v1 =	vor.u32 v2, v4;
	[tilespmem:$0x100] =	vst v63  }
0x3b: {  	s14 =	sand.u32 $0x40, s31;
	v0 =	vor.u32 v0, v1  }
0x3c: {  	s16 =	simm.s32 $0x20;
	s14 =	sor.u32 $0x80, s14;
	s17 =	sadd.s32 $0x10, s17;
	vm1 =	veq.s32 v3, $0x80000000;
	v2 =	vshrl.u32 v3, $0xC;
	v1 =	vand.u32 $0xFFF, v3  }
.LBB2_3:
0x3d: {  	v3 =	vld.msk [tilespmem:s17+$0x0 ss:$0x1], $0xffff;
	s16 =	sadd.s32 $0x10, s16;
	v1 =	vsel vm1, $0xFFFFFFFF, v1;
	v2 =	vand.u32 $0x7, v2  }
0x3e: {  	p1 =	slt.u32 s16, $0x30;
	v2 =	vsel vm1, $0xFFFFFFFF, v2;
	v4 =	vshll.u32 v1, $0x3  }
.Ltmp3:
0x3f: {  	s15 =	sadd.s32 $0x10, s15;
	v5 =	vand.u32 $0xFFFF8000, v2;
	v4 =	vand.u32 $0xFFFFFC00, v4;
	v2 =	vshll.u32 v2, $0x7;
	(ifvalue) =	ssetifvalue $0x7FFFFFFF;
	(pc) =	sbr.rel @p1 .LBB2_3-.Ltmp3, $4  }
0x40: {  	v4 =	vadd.s32 v4, v5;
	v2 =	vand.u32 $0x380, v2;
	[tilespmem:s15], [sflag:$0x1] =	stream.indirect_vreg.gather [hbm4b:s2+s10], $0x1, v0, vm0, $0x4038;
	[tilespmem:$0x100] =	vst v63  }
0x41: {  	v0 =	vand.u32 $0x7F, v1;
	v1 =	vor.u32 v2, v4  }
0x42: {  	v0 =	vor.u32 v0, v1  }
0x43: {  	s17 =	sadd.s32 $0x10, s17;
	vm1 =	veq.s32 v3, $0x80000000;
	v1 =	vand.u32 $0xFFF, v3;
	v2 =	vshrl.u32 v3, $0xC  }
.Ltmp4:
0x44: {  	_ = 	snop;
	(pc) =	sbr.rel .LBB2_4-.Ltmp4, $1  }
0x45: {  	_ =	sdelay $0x3  }
.LBB2_6:
0x46: {  	_ =	sfence.sel $0x180000  }
0x47: {  	s2 =	simm.s32 $0x2;
	[bflag:$0x0] =	sbarrier.arrive $0xFFFF  }
0x48: {  	s30 =	simm.s32 $0x3;
	[sflag:s2] =	ssyncpa.u1 $0x1  }
0x49: {  	s31 =	simm.s32 $0x1;
	[sflag:s30] =	ssyncpa.u1 $0x1  }
0x4a: {  	[sflag:s31] =	ssyncpa.u1 $0x1  }
0x4b: {  	p0 =	sne.s32 s0, $0x0;
	_ =	strace $0x90000047  }
0x4c: {  	s0 =	sadd.s32 @!p0 $0x100000, s1;
	[bflag:$0x2] =	sbarrier.arrive $0xFFFF  }
0x4d: {  	[sflag:s0] =	ssyncadd.tile.s32 @!p0 $0x1;
	_ =	shalt  }
.Lfunc_end2:
_tile_overlayer_lowered:
.L_overlay_start_2:
0x4e: {  	(tag) =	ssettag $0x2  }
0x4f: {  	s0 =	rddreg [dreg:$0x0];
	s2 =	stileid.u32  }
0x50: {  	s1 =	rddreg [dreg:$0x1];
	p0 =	sne.s32 s2, $0x0  }
0x51: {  	s3 =	rddreg [dreg:$0x2];
	[bflag:$0x3] =	sbarrier.arrive $0xFFFF;
	s2 =	simm.s32 @!p0 $0x1C01  }
0x52: {  	[timem:s3], [sflag:s2] =	dma.local @!p0 [hbm:s0], s1  }
0x53: {  	s0 =	simm.s32 @!p0 $0x1  }
0x54: {  	_ =	swait.ge @!p0 [sflag:s0], s1  }
0x55: {  	s1 =	ssub.s32 @!p0 $0x0, s1;
	[sflag:s0] =	ssyncset.done @!p0 $0x0  }
0x56: {  	[sflag:s0] =	ssyncadd.s32 @!p0 s1  }
0x57: {  	[bflag:$0x3] =	sbarrier.arrive $0xFFFF  }
0x58: {  	_ =	shalt  }

</sc_bundles>
